<compile_context>
chip_gen: v7x
topology: tpu7x:2x2x1
jax: 0.10.2.dev20260603
libtpu: 0.0.44.dev20260713+nightly
codegen_flags: <defaults>
</compile_context>

<pallas_src>
import functools

import jax
import jax.numpy as jnp
from jax import lax
from jax.experimental import pallas as pl
from jax.experimental.pallas import tpu as pltpu
from jax.experimental.pallas import tpu_sc as plsc

_L = 16
_NC = 2
_NS = 16
_IDX_CHUNK = 128
_BL = 32768


@functools.lru_cache(maxsize=None)
def _build_tc_scores(V, D, bl):
    nb = (V + bl - 1) // bl

    def body(tu_ref, ti_ref, w_ref, ou_ref, oi_ref):
        w = w_ref[...]
        pu = jax.lax.dot_general(
            w[:D], tu_ref[...], (((0,), (0,)), ((), ())),
            preferred_element_type=jnp.float32)
        ou_ref[...] = pu.reshape(ou_ref.shape)
        pi = jax.lax.dot_general(
            w[D:], ti_ref[...], (((0,), (0,)), ((), ())),
            preferred_element_type=jnp.float32)
        oi_ref[...] = pi.reshape(oi_ref.shape)

    return pl.pallas_call(
        body,
        grid=(nb,),
        in_specs=[
            pl.BlockSpec((D, bl), lambda i: (0, i)),
            pl.BlockSpec((D, bl), lambda i: (0, i)),
            pl.BlockSpec((2 * D, 1), lambda i: (0, 0)),
        ],
        out_specs=[
            pl.BlockSpec((bl,), lambda i: (i,)),
            pl.BlockSpec((bl,), lambda i: (i,)),
        ],
        out_shape=[
            jax.ShapeDtypeStruct((V,), jnp.float32),
            jax.ShapeDtypeStruct((V,), jnp.float32),
        ],
        compiler_params=pltpu.CompilerParams(
            dimension_semantics=("parallel",)),
    )


@functools.lru_cache(maxsize=None)
def _build_sc_gather(B):
    nw = _NC * _NS
    bpw = B // nw
    n_chunk = bpw // _IDX_CHUNK
    n_grp = bpw // _L

    mesh = plsc.VectorSubcoreMesh(core_axis_name="c", subcore_axis_name="s")

    @functools.partial(
        pl.kernel,
        mesh=mesh,
        compiler_params=pltpu.CompilerParams(
            needs_layout_passes=False, use_tc_tiling_on_sc=False),
        out_type=jax.ShapeDtypeStruct((B,), jnp.float32),
        scratch_types=[
            pltpu.VMEM((n_chunk, _IDX_CHUNK), jnp.int32),
            pltpu.VMEM((n_chunk, _IDX_CHUNK), jnp.int32),
            pltpu.VMEM((bpw,), jnp.float32),
            pltpu.VMEM((bpw,), jnp.float32),
            pltpu.VMEM((_L,), jnp.float32),
            pltpu.VMEM((bpw,), jnp.float32),
            pltpu.SemaphoreType.DMA,
            pltpu.SemaphoreType.DMA,
        ],
    )
    def sc_kernel(uidx_hbm, iidx_hbm, su_hbm, si_hbm, b_hbm, out_hbm,
                  uidx_v, iidx_v, su_v, si_v, b_v, out_v, sem_u, sem_i):
        wid = lax.axis_index("s") * _NC + lax.axis_index("c")
        crow = wid * n_chunk

        pltpu.sync_copy(uidx_hbm.at[pl.ds(crow, n_chunk), :], uidx_v)
        pltpu.sync_copy(iidx_hbm.at[pl.ds(crow, n_chunk), :], iidx_v)
        pltpu.sync_copy(b_hbm, b_v)

        copies = []
        for j in range(n_chunk):
            dst = pl.ds(j * _IDX_CHUNK, _IDX_CHUNK)
            copies.append(pltpu.async_copy(
                su_hbm.at[uidx_v.at[j]], su_v.at[dst], sem_u))
            copies.append(pltpu.async_copy(
                si_hbm.at[iidx_v.at[j]], si_v.at[dst], sem_i))
        for cp in copies:
            cp.wait()

        bv = b_v[...]

        def grp_body(g, carry):
            s = pl.multiple_of(g * _L, _L)
            x = su_v[pl.ds(s, _L)] + si_v[pl.ds(s, _L)] + bv
            out_v[pl.ds(s, _L)] = 1.0 / (1.0 + jnp.exp(-x))
            return carry

        lax.fori_loop(0, n_grp, grp_body, 0)

        pltpu.sync_copy(out_v, out_hbm.at[pl.ds(wid * bpw, bpw)])

    return sc_kernel


def kernel(user_input, pos_item_input, user_table, item_table, W, b):
    B = user_input.shape[0]
    V_u, D = user_table.shape
    V_i = item_table.shape[0]
    uidx = user_input.reshape(B // _IDX_CHUNK, _IDX_CHUNK).astype(jnp.int32)
    iidx = pos_item_input.reshape(B // _IDX_CHUNK, _IDX_CHUNK).astype(jnp.int32)
    b16 = jnp.broadcast_to(b.reshape(()), (_L,)).astype(jnp.float32)
    scores_u, scores_i = _build_tc_scores(V_u, D, _BL)(
        user_table.T, item_table.T, W.astype(jnp.float32))
    out = _build_sc_gather(B)(uidx, iidx, scores_u, scores_i, b16)
    return out.reshape(B, 1)

# --- scband reference (transcript-rebuilt; emitter-appended) ---
"""Pipeline reference for scband-deep-match-model-79568564125741 (READ-ONLY COPY).

The authoritative reference and input builder live on the scoring server;
editing this copy changes nothing except your own understanding.
"""

import jax, jax.numpy as jnp
import numpy as np

B = 16384
V_USER = 1000000
V_ITEM = 1000000
D = 32

def setup_inputs(seed: int = 0) -> dict:
    key = jax.random.key(seed)
    k1, k2, k3, k4, k5 = jax.random.split(key, 5)
    user_input = jax.random.randint(k1, (B, 1), 0, V_USER, dtype=jnp.int32)
    pos_item_input = jax.random.randint(k2, (B, 1), 0, V_ITEM, dtype=jnp.int32)
    user_table = jax.random.normal(k3, (V_USER, D), dtype=jnp.float32) * 0.01
    item_table = jax.random.normal(k4, (V_ITEM, D), dtype=jnp.float32) * 0.01
    kW, kb = jax.random.split(k5)
    W = jax.random.normal(kW, (2 * D, 1), dtype=jnp.float32) * (1.0 / np.sqrt(2 * D))
    b = jnp.zeros((1,), dtype=jnp.float32)
    return {
        "user_input": user_input,
        "pos_item_input": pos_item_input,
        "user_table": user_table,
        "item_table": item_table,
        "W": W,
        "b": b,
    }

def reference(user_input, pos_item_input, user_table, item_table, W, b):
    # Embedding lookup: [B, 1] -> [B, 1, D]
    user_embedding = jnp.take(user_table, user_input, axis=0)
    pos_item_embedding = jnp.take(item_table, pos_item_input, axis=0)
    # Flatten: [B, 1, D] -> [B, D]
    user_embedding = user_embedding.reshape(user_embedding.shape[0], -1)
    pos_item_embedding = pos_item_embedding.reshape(pos_item_embedding.shape[0], -1)
    # Concatenate: [B, 2D]
    pos_embeddings_pair = jnp.concatenate([user_embedding, pos_item_embedding], axis=-1)
    # MLP: Dense(1, sigmoid)
    pos_similarity = jax.nn.sigmoid(pos_embeddings_pair @ W + b)
    return pos_similarity

if __name__ == "__main__":
    import jax
    _d = setup_inputs()
    print(jax.jit(kernel)(*tuple(_d.values())))

</pallas_src>

<mosaic_0001>
#map = affine_map<(d0, d1) -> (0, 0)>
#map1 = affine_map<(d0, d1) -> (0)>
module attributes {stable_mosaic.version = 14 : i64} {
  func.func @sc_kernel(%arg0: i32, %arg1: i32, %arg2: memref<128x128xi32, #tpu.memory_space<hbm>>, %arg3: memref<128x128xi32, #tpu.memory_space<hbm>>, %arg4: memref<1000000xf32, #tpu.memory_space<hbm>>, %arg5: memref<1000000xf32, #tpu.memory_space<hbm>>, %arg6: memref<16xf32, #tpu.memory_space<hbm>>, %arg7: memref<16384xf32, #tpu.memory_space<hbm>>, %arg8: memref<4x128xi32, #tpu.memory_space<vmem>>, %arg9: memref<4x128xi32, #tpu.memory_space<vmem>>, %arg10: memref<512xf32, #tpu.memory_space<vmem>>, %arg11: memref<512xf32, #tpu.memory_space<vmem>>, %arg12: memref<16xf32, #tpu.memory_space<vmem>>, %arg13: memref<512xf32, #tpu.memory_space<vmem>>, %arg14: memref<!tpu.dma_semaphore, #tpu.memory_space<semaphore_mem>>, %arg15: memref<!tpu.dma_semaphore, #tpu.memory_space<semaphore_mem>>) attributes {dimension_semantics = [#tpu.dimension_semantics<core_parallel>, #tpu.dimension_semantics<subcore_parallel>], iteration_bounds = array<i64: 2, 16>, scalar_prefetch = 0 : i64, scratch_operands = 8 : i64, tpu.core_type = #tpu.core_type<sc_vector_subcore>, window_params = [{transform_indices = #map}, {transform_indices = #map}, {transform_indices = #map1}, {transform_indices = #map1}, {transform_indices = #map1}, {transform_indices = #map1}]} {
    %mul3A = arith.constant 2 : i32
    %mul3A_0 = arith.muli %arg1, %mul3A : i32
    %add3A = arith.addi %mul3A_0, %arg0 : i32
    %mul3A_1 = arith.constant 4 : i32
    %mul3A_2 = arith.muli %add3A, %mul3A_1 : i32
    "tpu.region"() ({
      %run_scoped3A = tpu.sem_alloc : memref<!tpu.dma_semaphore, #tpu.memory_space<semaphore_mem>>
      %dma_start3A_137 = arith.constant 0 : i32
      %dma_start3A_138 = tpu.memref_slice %arg2[%mul3A_2, %dma_start3A_137] : memref<128x128xi32, #tpu.memory_space<hbm>> -> memref<4x128xi32, #tpu.memory_space<hbm>>
      %dma_start3A_139 = arith.constant 0 : i32
      %dma_start3A_140 = tpu.memref_slice %arg2[%mul3A_2, %dma_start3A_139] : memref<128x128xi32, #tpu.memory_space<hbm>> -> memref<4x128xi32, #tpu.memory_space<hbm>>
      tpu.enqueue_dma source(%dma_start3A_140 : memref<4x128xi32, #tpu.memory_space<hbm>>) target(%arg8 : memref<4x128xi32, #tpu.memory_space<vmem>>) target_semaphore(%run_scoped3A : memref<!tpu.dma_semaphore, #tpu.memory_space<semaphore_mem>>)
      %dma_wait3A_141 = arith.constant 0 : i32
      %dma_wait3A_142 = tpu.memref_slice %arg2[%mul3A_2, %dma_wait3A_141] : memref<128x128xi32, #tpu.memory_space<hbm>> -> memref<4x128xi32, #tpu.memory_space<hbm>>
      %dma_wait3A_143 = arith.constant 0 : i32
      %dma_wait3A_144 = tpu.memref_slice %arg2[%mul3A_2, %dma_wait3A_143] : memref<128x128xi32, #tpu.memory_space<hbm>> -> memref<4x128xi32, #tpu.memory_space<hbm>>
      tpu.wait_dma2 semaphore(%run_scoped3A : memref<!tpu.dma_semaphore, #tpu.memory_space<semaphore_mem>>) src(%dma_wait3A_144 : memref<4x128xi32, #tpu.memory_space<hbm>>) dst(%arg8 : memref<4x128xi32, #tpu.memory_space<vmem>>)
      tpu.yield
    }) : () -> ()
    "tpu.region"() ({
      %run_scoped3A = tpu.sem_alloc : memref<!tpu.dma_semaphore, #tpu.memory_space<semaphore_mem>>
      %dma_start3A_137 = arith.constant 0 : i32
      %dma_start3A_138 = tpu.memref_slice %arg3[%mul3A_2, %dma_start3A_137] : memref<128x128xi32, #tpu.memory_space<hbm>> -> memref<4x128xi32, #tpu.memory_space<hbm>>
      %dma_start3A_139 = arith.constant 0 : i32
      %dma_start3A_140 = tpu.memref_slice %arg3[%mul3A_2, %dma_start3A_139] : memref<128x128xi32, #tpu.memory_space<hbm>> -> memref<4x128xi32, #tpu.memory_space<hbm>>
      tpu.enqueue_dma source(%dma_start3A_140 : memref<4x128xi32, #tpu.memory_space<hbm>>) target(%arg9 : memref<4x128xi32, #tpu.memory_space<vmem>>) target_semaphore(%run_scoped3A : memref<!tpu.dma_semaphore, #tpu.memory_space<semaphore_mem>>)
      %dma_wait3A_141 = arith.constant 0 : i32
      %dma_wait3A_142 = tpu.memref_slice %arg3[%mul3A_2, %dma_wait3A_141] : memref<128x128xi32, #tpu.memory_space<hbm>> -> memref<4x128xi32, #tpu.memory_space<hbm>>
      %dma_wait3A_143 = arith.constant 0 : i32
      %dma_wait3A_144 = tpu.memref_slice %arg3[%mul3A_2, %dma_wait3A_143] : memref<128x128xi32, #tpu.memory_space<hbm>> -> memref<4x128xi32, #tpu.memory_space<hbm>>
      tpu.wait_dma2 semaphore(%run_scoped3A : memref<!tpu.dma_semaphore, #tpu.memory_space<semaphore_mem>>) src(%dma_wait3A_144 : memref<4x128xi32, #tpu.memory_space<hbm>>) dst(%arg9 : memref<4x128xi32, #tpu.memory_space<vmem>>)
      tpu.yield
    }) : () -> ()
    "tpu.region"() ({
      %run_scoped3A = tpu.sem_alloc : memref<!tpu.dma_semaphore, #tpu.memory_space<semaphore_mem>>
      tpu.enqueue_dma source(%arg6 : memref<16xf32, #tpu.memory_space<hbm>>) target(%arg12 : memref<16xf32, #tpu.memory_space<vmem>>) target_semaphore(%run_scoped3A : memref<!tpu.dma_semaphore, #tpu.memory_space<semaphore_mem>>)
      tpu.wait_dma2 semaphore(%run_scoped3A : memref<!tpu.dma_semaphore, #tpu.memory_space<semaphore_mem>>) src(%arg6 : memref<16xf32, #tpu.memory_space<hbm>>) dst(%arg12 : memref<16xf32, #tpu.memory_space<vmem>>)
      tpu.yield
    }) : () -> ()
    %dma_start3A = arith.constant 0 : i32
    %dma_start3A_3 = arith.constant 0 : i32
    %dma_start3A_4 = tpu.memref_slice %arg10[%dma_start3A_3] : memref<512xf32, #tpu.memory_space<vmem>> -> memref<128xf32, #tpu.memory_space<vmem>>
    %dma_start3A_5 = arith.constant 0 : i32
    %dma_start3A_6 = tpu.memref_slice %arg8[%dma_start3A, %dma_start3A_5] : memref<4x128xi32, #tpu.memory_space<vmem>> -> memref<1x128xi32, #tpu.memory_space<vmem>>
    %dma_start3A_7 = tpu.memref_squeeze %dma_start3A_6 : memref<1x128xi32, #tpu.memory_space<vmem>> -> memref<128xi32, #tpu.memory_space<vmem>>
    %dma_start3A_8 = arith.constant 0 : i32
    %dma_start3A_9 = tpu.memref_slice %arg4[%dma_start3A_8] : memref<1000000xf32, #tpu.memory_space<hbm>> -> memref<1000000xf32, #tpu.memory_space<hbm>>
    tpu.enqueue_indirect_dma source(%dma_start3A_9 : memref<1000000xf32, #tpu.memory_space<hbm>>) target(%dma_start3A_4 : memref<128xf32, #tpu.memory_space<vmem>>) offsets(%dma_start3A_7 : memref<128xi32, #tpu.memory_space<vmem>>) semaphore(%arg14 : memref<!tpu.dma_semaphore, #tpu.memory_space<semaphore_mem>>)
    %dma_start3A_10 = arith.constant 0 : i32
    %dma_start3A_11 = arith.constant 0 : i32
    %dma_start3A_12 = tpu.memref_slice %arg11[%dma_start3A_11] : memref<512xf32, #tpu.memory_space<vmem>> -> memref<128xf32, #tpu.memory_space<vmem>>
    %dma_start3A_13 = arith.constant 0 : i32
    %dma_start3A_14 = tpu.memref_slice %arg9[%dma_start3A_10, %dma_start3A_13] : memref<4x128xi32, #tpu.memory_space<vmem>> -> memref<1x128xi32, #tpu.memory_space<vmem>>
    %dma_start3A_15 = tpu.memref_squeeze %dma_start3A_14 : memref<1x128xi32, #tpu.memory_space<vmem>> -> memref<128xi32, #tpu.memory_space<vmem>>
    %dma_start3A_16 = arith.constant 0 : i32
    %dma_start3A_17 = tpu.memref_slice %arg5[%dma_start3A_16] : memref<1000000xf32, #tpu.memory_space<hbm>> -> memref<1000000xf32, #tpu.memory_space<hbm>>
    tpu.enqueue_indirect_dma source(%dma_start3A_17 : memref<1000000xf32, #tpu.memory_space<hbm>>) target(%dma_start3A_12 : memref<128xf32, #tpu.memory_space<vmem>>) offsets(%dma_start3A_15 : memref<128xi32, #tpu.memory_space<vmem>>) semaphore(%arg15 : memref<!tpu.dma_semaphore, #tpu.memory_space<semaphore_mem>>)
    %dma_start3A_18 = arith.constant 1 : i32
    %dma_start3A_19 = arith.constant 128 : i32
    %dma_start3A_20 = tpu.memref_slice %arg10[%dma_start3A_19] : memref<512xf32, #tpu.memory_space<vmem>> -> memref<128xf32, #tpu.memory_space<vmem>>
    %dma_start3A_21 = arith.constant 0 : i32
    %dma_start3A_22 = tpu.memref_slice %arg8[%dma_start3A_18, %dma_start3A_21] : memref<4x128xi32, #tpu.memory_space<vmem>> -> memref<1x128xi32, #tpu.memory_space<vmem>>
    %dma_start3A_23 = tpu.memref_squeeze %dma_start3A_22 : memref<1x128xi32, #tpu.memory_space<vmem>> -> memref<128xi32, #tpu.memory_space<vmem>>
    %dma_start3A_24 = arith.constant 0 : i32
    %dma_start3A_25 = tpu.memref_slice %arg4[%dma_start3A_24] : memref<1000000xf32, #tpu.memory_space<hbm>> -> memref<1000000xf32, #tpu.memory_space<hbm>>
    tpu.enqueue_indirect_dma source(%dma_start3A_25 : memref<1000000xf32, #tpu.memory_space<hbm>>) target(%dma_start3A_20 : memref<128xf32, #tpu.memory_space<vmem>>) offsets(%dma_start3A_23 : memref<128xi32, #tpu.memory_space<vmem>>) semaphore(%arg14 : memref<!tpu.dma_semaphore, #tpu.memory_space<semaphore_mem>>)
    %dma_start3A_26 = arith.constant 1 : i32
    %dma_start3A_27 = arith.constant 128 : i32
    %dma_start3A_28 = tpu.memref_slice %arg11[%dma_start3A_27] : memref<512xf32, #tpu.memory_space<vmem>> -> memref<128xf32, #tpu.memory_space<vmem>>
    %dma_start3A_29 = arith.constant 0 : i32
    %dma_start3A_30 = tpu.memref_slice %arg9[%dma_start3A_26, %dma_start3A_29] : memref<4x128xi32, #tpu.memory_space<vmem>> -> memref<1x128xi32, #tpu.memory_space<vmem>>
    %dma_start3A_31 = tpu.memref_squeeze %dma_start3A_30 : memref<1x128xi32, #tpu.memory_space<vmem>> -> memref<128xi32, #tpu.memory_space<vmem>>
    %dma_start3A_32 = arith.constant 0 : i32
    %dma_start3A_33 = tpu.memref_slice %arg5[%dma_start3A_32] : memref<1000000xf32, #tpu.memory_space<hbm>> -> memref<1000000xf32, #tpu.memory_space<hbm>>
    tpu.enqueue_indirect_dma source(%dma_start3A_33 : memref<1000000xf32, #tpu.memory_space<hbm>>) target(%dma_start3A_28 : memref<128xf32, #tpu.memory_space<vmem>>) offsets(%dma_start3A_31 : memref<128xi32, #tpu.memory_space<vmem>>) semaphore(%arg15 : memref<!tpu.dma_semaphore, #tpu.memory_space<semaphore_mem>>)
    %dma_start3A_34 = arith.constant 2 : i32
    %dma_start3A_35 = arith.constant 256 : i32
    %dma_start3A_36 = tpu.memref_slice %arg10[%dma_start3A_35] : memref<512xf32, #tpu.memory_space<vmem>> -> memref<128xf32, #tpu.memory_space<vmem>>
    %dma_start3A_37 = arith.constant 0 : i32
    %dma_start3A_38 = tpu.memref_slice %arg8[%dma_start3A_34, %dma_start3A_37] : memref<4x128xi32, #tpu.memory_space<vmem>> -> memref<1x128xi32, #tpu.memory_space<vmem>>
    %dma_start3A_39 = tpu.memref_squeeze %dma_start3A_38 : memref<1x128xi32, #tpu.memory_space<vmem>> -> memref<128xi32, #tpu.memory_space<vmem>>
    %dma_start3A_40 = arith.constant 0 : i32
    %dma_start3A_41 = tpu.memref_slice %arg4[%dma_start3A_40] : memref<1000000xf32, #tpu.memory_space<hbm>> -> memref<1000000xf32, #tpu.memory_space<hbm>>
    tpu.enqueue_indirect_dma source(%dma_start3A_41 : memref<1000000xf32, #tpu.memory_space<hbm>>) target(%dma_start3A_36 : memref<128xf32, #tpu.memory_space<vmem>>) offsets(%dma_start3A_39 : memref<128xi32, #tpu.memory_space<vmem>>) semaphore(%arg14 : memref<!tpu.dma_semaphore, #tpu.memory_space<semaphore_mem>>)
    %dma_start3A_42 = arith.constant 2 : i32
    %dma_start3A_43 = arith.constant 256 : i32
    %dma_start3A_44 = tpu.memref_slice %arg11[%dma_start3A_43] : memref<512xf32, #tpu.memory_space<vmem>> -> memref<128xf32, #tpu.memory_space<vmem>>
    %dma_start3A_45 = arith.constant 0 : i32
    %dma_start3A_46 = tpu.memref_slice %arg9[%dma_start3A_42, %dma_start3A_45] : memref<4x128xi32, #tpu.memory_space<vmem>> -> memref<1x128xi32, #tpu.memory_space<vmem>>
    %dma_start3A_47 = tpu.memref_squeeze %dma_start3A_46 : memref<1x128xi32, #tpu.memory_space<vmem>> -> memref<128xi32, #tpu.memory_space<vmem>>
    %dma_start3A_48 = arith.constant 0 : i32
    %dma_start3A_49 = tpu.memref_slice %arg5[%dma_start3A_48] : memref<1000000xf32, #tpu.memory_space<hbm>> -> memref<1000000xf32, #tpu.memory_space<hbm>>
    tpu.enqueue_indirect_dma source(%dma_start3A_49 : memref<1000000xf32, #tpu.memory_space<hbm>>) target(%dma_start3A_44 : memref<128xf32, #tpu.memory_space<vmem>>) offsets(%dma_start3A_47 : memref<128xi32, #tpu.memory_space<vmem>>) semaphore(%arg15 : memref<!tpu.dma_semaphore, #tpu.memory_space<semaphore_mem>>)
    %dma_start3A_50 = arith.constant 3 : i32
    %dma_start3A_51 = arith.constant 384 : i32
    %dma_start3A_52 = tpu.memref_slice %arg10[%dma_start3A_51] : memref<512xf32, #tpu.memory_space<vmem>> -> memref<128xf32, #tpu.memory_space<vmem>>
    %dma_start3A_53 = arith.constant 0 : i32
    %dma_start3A_54 = tpu.memref_slice %arg8[%dma_start3A_50, %dma_start3A_53] : memref<4x128xi32, #tpu.memory_space<vmem>> -> memref<1x128xi32, #tpu.memory_space<vmem>>
    %dma_start3A_55 = tpu.memref_squeeze %dma_start3A_54 : memref<1x128xi32, #tpu.memory_space<vmem>> -> memref<128xi32, #tpu.memory_space<vmem>>
    %dma_start3A_56 = arith.constant 0 : i32
    %dma_start3A_57 = tpu.memref_slice %arg4[%dma_start3A_56] : memref<1000000xf32, #tpu.memory_space<hbm>> -> memref<1000000xf32, #tpu.memory_space<hbm>>
    tpu.enqueue_indirect_dma source(%dma_start3A_57 : memref<1000000xf32, #tpu.memory_space<hbm>>) target(%dma_start3A_52 : memref<128xf32, #tpu.memory_space<vmem>>) offsets(%dma_start3A_55 : memref<128xi32, #tpu.memory_space<vmem>>) semaphore(%arg14 : memref<!tpu.dma_semaphore, #tpu.memory_space<semaphore_mem>>)
    %dma_start3A_58 = arith.constant 3 : i32
    %dma_start3A_59 = arith.constant 384 : i32
    %dma_start3A_60 = tpu.memref_slice %arg11[%dma_start3A_59] : memref<512xf32, #tpu.memory_space<vmem>> -> memref<128xf32, #tpu.memory_space<vmem>>
    %dma_start3A_61 = arith.constant 0 : i32
    %dma_start3A_62 = tpu.memref_slice %arg9[%dma_start3A_58, %dma_start3A_61] : memref<4x128xi32, #tpu.memory_space<vmem>> -> memref<1x128xi32, #tpu.memory_space<vmem>>
    %dma_start3A_63 = tpu.memref_squeeze %dma_start3A_62 : memref<1x128xi32, #tpu.memory_space<vmem>> -> memref<128xi32, #tpu.memory_space<vmem>>
    %dma_start3A_64 = arith.constant 0 : i32
    %dma_start3A_65 = tpu.memref_slice %arg5[%dma_start3A_64] : memref<1000000xf32, #tpu.memory_space<hbm>> -> memref<1000000xf32, #tpu.memory_space<hbm>>
    tpu.enqueue_indirect_dma source(%dma_start3A_65 : memref<1000000xf32, #tpu.memory_space<hbm>>) target(%dma_start3A_60 : memref<128xf32, #tpu.memory_space<vmem>>) offsets(%dma_start3A_63 : memref<128xi32, #tpu.memory_space<vmem>>) semaphore(%arg15 : memref<!tpu.dma_semaphore, #tpu.memory_space<semaphore_mem>>)
    %dma_wait3A = arith.constant 0 : i32
    %dma_wait3A_66 = arith.constant 0 : i32
    %dma_wait3A_67 = tpu.memref_slice %arg10[%dma_wait3A_66] : memref<512xf32, #tpu.memory_space<vmem>> -> memref<128xf32, #tpu.memory_space<vmem>>
    %dma_wait3A_68 = arith.constant 0 : i32
    %dma_wait3A_69 = tpu.memref_slice %arg8[%dma_wait3A, %dma_wait3A_68] : memref<4x128xi32, #tpu.memory_space<vmem>> -> memref<1x128xi32, #tpu.memory_space<vmem>>
    %dma_wait3A_70 = tpu.memref_squeeze %dma_wait3A_69 : memref<1x128xi32, #tpu.memory_space<vmem>> -> memref<128xi32, #tpu.memory_space<vmem>>
    %dma_wait3A_71 = arith.constant 0 : i32
    %dma_wait3A_72 = tpu.memref_slice %arg4[%dma_wait3A_71] : memref<1000000xf32, #tpu.memory_space<hbm>> -> memref<1000000xf32, #tpu.memory_space<hbm>>
    tpu.wait_indirect_dma semaphore(%arg14 : memref<!tpu.dma_semaphore, #tpu.memory_space<semaphore_mem>>) src(%dma_wait3A_72 : memref<1000000xf32, #tpu.memory_space<hbm>>) dst(%dma_wait3A_67 : memref<128xf32, #tpu.memory_space<vmem>>)
    %dma_wait3A_73 = arith.constant 0 : i32
    %dma_wait3A_74 = arith.constant 0 : i32
    %dma_wait3A_75 = tpu.memref_slice %arg11[%dma_wait3A_74] : memref<512xf32, #tpu.memory_space<vmem>> -> memref<128xf32, #tpu.memory_space<vmem>>
    %dma_wait3A_76 = arith.constant 0 : i32
    %dma_wait3A_77 = tpu.memref_slice %arg9[%dma_wait3A_73, %dma_wait3A_76] : memref<4x128xi32, #tpu.memory_space<vmem>> -> memref<1x128xi32, #tpu.memory_space<vmem>>
    %dma_wait3A_78 = tpu.memref_squeeze %dma_wait3A_77 : memref<1x128xi32, #tpu.memory_space<vmem>> -> memref<128xi32, #tpu.memory_space<vmem>>
    %dma_wait3A_79 = arith.constant 0 : i32
    %dma_wait3A_80 = tpu.memref_slice %arg5[%dma_wait3A_79] : memref<1000000xf32, #tpu.memory_space<hbm>> -> memref<1000000xf32, #tpu.memory_space<hbm>>
    tpu.wait_indirect_dma semaphore(%arg15 : memref<!tpu.dma_semaphore, #tpu.memory_space<semaphore_mem>>) src(%dma_wait3A_80 : memref<1000000xf32, #tpu.memory_space<hbm>>) dst(%dma_wait3A_75 : memref<128xf32, #tpu.memory_space<vmem>>)
    %dma_wait3A_81 = arith.constant 1 : i32
    %dma_wait3A_82 = arith.constant 128 : i32
    %dma_wait3A_83 = tpu.memref_slice %arg10[%dma_wait3A_82] : memref<512xf32, #tpu.memory_space<vmem>> -> memref<128xf32, #tpu.memory_space<vmem>>
    %dma_wait3A_84 = arith.constant 0 : i32
    %dma_wait3A_85 = tpu.memref_slice %arg8[%dma_wait3A_81, %dma_wait3A_84] : memref<4x128xi32, #tpu.memory_space<vmem>> -> memref<1x128xi32, #tpu.memory_space<vmem>>
    %dma_wait3A_86 = tpu.memref_squeeze %dma_wait3A_85 : memref<1x128xi32, #tpu.memory_space<vmem>> -> memref<128xi32, #tpu.memory_space<vmem>>
    %dma_wait3A_87 = arith.constant 0 : i32
    %dma_wait3A_88 = tpu.memref_slice %arg4[%dma_wait3A_87] : memref<1000000xf32, #tpu.memory_space<hbm>> -> memref<1000000xf32, #tpu.memory_space<hbm>>
    tpu.wait_indirect_dma semaphore(%arg14 : memref<!tpu.dma_semaphore, #tpu.memory_space<semaphore_mem>>) src(%dma_wait3A_88 : memref<1000000xf32, #tpu.memory_space<hbm>>) dst(%dma_wait3A_83 : memref<128xf32, #tpu.memory_space<vmem>>)
    %dma_wait3A_89 = arith.constant 1 : i32
    %dma_wait3A_90 = arith.constant 128 : i32
    %dma_wait3A_91 = tpu.memref_slice %arg11[%dma_wait3A_90] : memref<512xf32, #tpu.memory_space<vmem>> -> memref<128xf32, #tpu.memory_space<vmem>>
    %dma_wait3A_92 = arith.constant 0 : i32
    %dma_wait3A_93 = tpu.memref_slice %arg9[%dma_wait3A_89, %dma_wait3A_92] : memref<4x128xi32, #tpu.memory_space<vmem>> -> memref<1x128xi32, #tpu.memory_space<vmem>>
    %dma_wait3A_94 = tpu.memref_squeeze %dma_wait3A_93 : memref<1x128xi32, #tpu.memory_space<vmem>> -> memref<128xi32, #tpu.memory_space<vmem>>
    %dma_wait3A_95 = arith.constant 0 : i32
    %dma_wait3A_96 = tpu.memref_slice %arg5[%dma_wait3A_95] : memref<1000000xf32, #tpu.memory_space<hbm>> -> memref<1000000xf32, #tpu.memory_space<hbm>>
    tpu.wait_indirect_dma semaphore(%arg15 : memref<!tpu.dma_semaphore, #tpu.memory_space<semaphore_mem>>) src(%dma_wait3A_96 : memref<1000000xf32, #tpu.memory_space<hbm>>) dst(%dma_wait3A_91 : memref<128xf32, #tpu.memory_space<vmem>>)
    %dma_wait3A_97 = arith.constant 2 : i32
    %dma_wait3A_98 = arith.constant 256 : i32
    %dma_wait3A_99 = tpu.memref_slice %arg10[%dma_wait3A_98] : memref<512xf32, #tpu.memory_space<vmem>> -> memref<128xf32, #tpu.memory_space<vmem>>
    %dma_wait3A_100 = arith.constant 0 : i32
    %dma_wait3A_101 = tpu.memref_slice %arg8[%dma_wait3A_97, %dma_wait3A_100] : memref<4x128xi32, #tpu.memory_space<vmem>> -> memref<1x128xi32, #tpu.memory_space<vmem>>
    %dma_wait3A_102 = tpu.memref_squeeze %dma_wait3A_101 : memref<1x128xi32, #tpu.memory_space<vmem>> -> memref<128xi32, #tpu.memory_space<vmem>>
    %dma_wait3A_103 = arith.constant 0 : i32
    %dma_wait3A_104 = tpu.memref_slice %arg4[%dma_wait3A_103] : memref<1000000xf32, #tpu.memory_space<hbm>> -> memref<1000000xf32, #tpu.memory_space<hbm>>
    tpu.wait_indirect_dma semaphore(%arg14 : memref<!tpu.dma_semaphore, #tpu.memory_space<semaphore_mem>>) src(%dma_wait3A_104 : memref<1000000xf32, #tpu.memory_space<hbm>>) dst(%dma_wait3A_99 : memref<128xf32, #tpu.memory_space<vmem>>)
    %dma_wait3A_105 = arith.constant 2 : i32
    %dma_wait3A_106 = arith.constant 256 : i32
    %dma_wait3A_107 = tpu.memref_slice %arg11[%dma_wait3A_106] : memref<512xf32, #tpu.memory_space<vmem>> -> memref<128xf32, #tpu.memory_space<vmem>>
    %dma_wait3A_108 = arith.constant 0 : i32
    %dma_wait3A_109 = tpu.memref_slice %arg9[%dma_wait3A_105, %dma_wait3A_108] : memref<4x128xi32, #tpu.memory_space<vmem>> -> memref<1x128xi32, #tpu.memory_space<vmem>>
    %dma_wait3A_110 = tpu.memref_squeeze %dma_wait3A_109 : memref<1x128xi32, #tpu.memory_space<vmem>> -> memref<128xi32, #tpu.memory_space<vmem>>
    %dma_wait3A_111 = arith.constant 0 : i32
    %dma_wait3A_112 = tpu.memref_slice %arg5[%dma_wait3A_111] : memref<1000000xf32, #tpu.memory_space<hbm>> -> memref<1000000xf32, #tpu.memory_space<hbm>>
    tpu.wait_indirect_dma semaphore(%arg15 : memref<!tpu.dma_semaphore, #tpu.memory_space<semaphore_mem>>) src(%dma_wait3A_112 : memref<1000000xf32, #tpu.memory_space<hbm>>) dst(%dma_wait3A_107 : memref<128xf32, #tpu.memory_space<vmem>>)
    %dma_wait3A_113 = arith.constant 3 : i32
    %dma_wait3A_114 = arith.constant 384 : i32
    %dma_wait3A_115 = tpu.memref_slice %arg10[%dma_wait3A_114] : memref<512xf32, #tpu.memory_space<vmem>> -> memref<128xf32, #tpu.memory_space<vmem>>
    %dma_wait3A_116 = arith.constant 0 : i32
    %dma_wait3A_117 = tpu.memref_slice %arg8[%dma_wait3A_113, %dma_wait3A_116] : memref<4x128xi32, #tpu.memory_space<vmem>> -> memref<1x128xi32, #tpu.memory_space<vmem>>
    %dma_wait3A_118 = tpu.memref_squeeze %dma_wait3A_117 : memref<1x128xi32, #tpu.memory_space<vmem>> -> memref<128xi32, #tpu.memory_space<vmem>>
    %dma_wait3A_119 = arith.constant 0 : i32
    %dma_wait3A_120 = tpu.memref_slice %arg4[%dma_wait3A_119] : memref<1000000xf32, #tpu.memory_space<hbm>> -> memref<1000000xf32, #tpu.memory_space<hbm>>
    tpu.wait_indirect_dma semaphore(%arg14 : memref<!tpu.dma_semaphore, #tpu.memory_space<semaphore_mem>>) src(%dma_wait3A_120 : memref<1000000xf32, #tpu.memory_space<hbm>>) dst(%dma_wait3A_115 : memref<128xf32, #tpu.memory_space<vmem>>)
    %dma_wait3A_121 = arith.constant 3 : i32
    %dma_wait3A_122 = arith.constant 384 : i32
    %dma_wait3A_123 = tpu.memref_slice %arg11[%dma_wait3A_122] : memref<512xf32, #tpu.memory_space<vmem>> -> memref<128xf32, #tpu.memory_space<vmem>>
    %dma_wait3A_124 = arith.constant 0 : i32
    %dma_wait3A_125 = tpu.memref_slice %arg9[%dma_wait3A_121, %dma_wait3A_124] : memref<4x128xi32, #tpu.memory_space<vmem>> -> memref<1x128xi32, #tpu.memory_space<vmem>>
    %dma_wait3A_126 = tpu.memref_squeeze %dma_wait3A_125 : memref<1x128xi32, #tpu.memory_space<vmem>> -> memref<128xi32, #tpu.memory_space<vmem>>
    %dma_wait3A_127 = arith.constant 0 : i32
    %dma_wait3A_128 = tpu.memref_slice %arg5[%dma_wait3A_127] : memref<1000000xf32, #tpu.memory_space<hbm>> -> memref<1000000xf32, #tpu.memory_space<hbm>>
    tpu.wait_indirect_dma semaphore(%arg15 : memref<!tpu.dma_semaphore, #tpu.memory_space<semaphore_mem>>) src(%dma_wait3A_128 : memref<1000000xf32, #tpu.memory_space<hbm>>) dst(%dma_wait3A_123 : memref<128xf32, #tpu.memory_space<vmem>>)
    %get3A = arith.constant 0 : index
    %get3A_129 = tpu.vector_load %arg12[%get3A] {strides = array<i32>} : memref<16xf32, #tpu.memory_space<vmem>>, vector<16xf32>,
    %scan3A = arith.constant 0 : i32
    %scan3A_130 = arith.constant 0 : i32
    %scan3A_131 = arith.constant 32 : i32
    %scan3A_132 = arith.addi %scan3A_130, %scan3A_131 : i32
    %scan3A_133 = arith.constant 1 : i32
    scf.for %scan3A_137 = %scan3A_130 to %scan3A_132 step %scan3A_133  : i32 {
      %mul3A_138 = arith.constant 16 : i32
      %mul3A_139 = arith.muli %scan3A_137, %mul3A_138 : i32
      %multiple_of3A = tpu.assume_multiple %mul3A_139, 16 : i32
      %get3A_140 = arith.index_cast %multiple_of3A : i32 to index
      %get3A_141 = tpu.vector_load %arg10[%get3A_140] {strides = array<i32>} : memref<512xf32, #tpu.memory_space<vmem>>, vector<16xf32>,
      %get3A_142 = arith.index_cast %multiple_of3A : i32 to index
      %get3A_143 = tpu.vector_load %arg11[%get3A_142] {strides = array<i32>} : memref<512xf32, #tpu.memory_space<vmem>>, vector<16xf32>,
      %add3A_144 = arith.addf %get3A_141, %get3A_143 : vector<16xf32>
      %add3A_145 = arith.addf %add3A_144, %get3A_129 : vector<16xf32>
      %neg3A = arith.constant 0.000000e+00 : f32
      %neg3A_146 = vector.broadcast %neg3A : f32 to vector<16xf32>
      %neg3A_147 = arith.subf %neg3A_146, %add3A_145 : vector<16xf32>
      %exp3A = math.exp %neg3A_147 : vector<16xf32>
      %add3A_148 = arith.constant 1.000000e+00 : f32
      %add3A_149 = vector.broadcast %add3A_148 : f32 to vector<16xf32>
      %add3A_150 = arith.addf %add3A_149, %exp3A : vector<16xf32>
      %div3A = arith.constant 1.000000e+00 : f32
      %div3A_151 = vector.broadcast %div3A : f32 to vector<16xf32>
      %div3A_152 = arith.divf %div3A_151, %add3A_150 : vector<16xf32>
      %swap3A = arith.index_cast %multiple_of3A : i32 to index
      %swap3A_153 = tpu.vector_load %arg13[%swap3A] {strides = array<i32>} : memref<512xf32, #tpu.memory_space<vmem>>, vector<16xf32>,
      tpu.vector_store %arg13[%swap3A], %div3A_152 {strides = array<i32>} : memref<512xf32, #tpu.memory_space<vmem>>, vector<16xf32>,
    }
    %scan3A_134 = arith.constant 32 : i32
    %mul3A_135 = arith.constant 512 : i32
    %mul3A_136 = arith.muli %add3A, %mul3A_135 : i32
    "tpu.region"() ({
      %run_scoped3A = tpu.sem_alloc : memref<!tpu.dma_semaphore, #tpu.memory_space<semaphore_mem>>
      %dma_start3A_137 = tpu.memref_slice %arg7[%mul3A_136] : memref<16384xf32, #tpu.memory_space<hbm>> -> memref<512xf32, #tpu.memory_space<hbm>>
      %dma_start3A_138 = tpu.memref_slice %arg7[%mul3A_136] : memref<16384xf32, #tpu.memory_space<hbm>> -> memref<512xf32, #tpu.memory_space<hbm>>
      tpu.enqueue_dma source(%arg13 : memref<512xf32, #tpu.memory_space<vmem>>) target(%dma_start3A_138 : memref<512xf32, #tpu.memory_space<hbm>>) target_semaphore(%run_scoped3A : memref<!tpu.dma_semaphore, #tpu.memory_space<semaphore_mem>>)
      %dma_wait3A_139 = tpu.memref_slice %arg7[%mul3A_136] : memref<16384xf32, #tpu.memory_space<hbm>> -> memref<512xf32, #tpu.memory_space<hbm>>
      %dma_wait3A_140 = tpu.memref_slice %arg7[%mul3A_136] : memref<16384xf32, #tpu.memory_space<hbm>> -> memref<512xf32, #tpu.memory_space<hbm>>
      tpu.wait_dma2 semaphore(%run_scoped3A : memref<!tpu.dma_semaphore, #tpu.memory_space<semaphore_mem>>) src(%arg13 : memref<512xf32, #tpu.memory_space<vmem>>) dst(%dma_wait3A_140 : memref<512xf32, #tpu.memory_space<hbm>>)
      tpu.yield
    }) : () -> ()
    return
  }
}

module attributes {stable_mosaic.version = 14 : i64} {
  func.func @body(%arg0: i32, %arg1: memref<32x32768xf32, #tpu.memory_space<vmem>>, %arg2: memref<32x32768xf32, #tpu.memory_space<vmem>>, %arg3: memref<64x1xf32, #tpu.memory_space<vmem>>, %arg4: memref<32768xf32, #tpu.memory_space<vmem>>, %arg5: memref<32768xf32, #tpu.memory_space<vmem>>) attributes {dimension_semantics = [#tpu.dimension_semantics<parallel>], iteration_bounds = array<i64: 31>, scalar_prefetch = 0 : i64, scratch_operands = 0 : i64, tpu.core_type = #tpu.core_type<tc>, window_params = [{transform_indices = @transform_0, window_bounds = array<i64: 32, 32768>}, {transform_indices = @transform_1, window_bounds = array<i64: 32, 32768>}, {pipeline_mode = #tpu.pipeline_mode<synchronous>, transform_indices = @transform_2, window_bounds = array<i64: 64, 1>}, {transform_indices = @transform_3, window_bounds = array<i64: 32768>}, {transform_indices = @transform_4, window_bounds = array<i64: 32768>}]} {
    %get3A = arith.constant 0 : index
    %get3A_0 = arith.constant 0 : index
    %get3A_1 = vector.load %arg3[%get3A, %get3A_0] : memref<64x1xf32, #tpu.memory_space<vmem>>, vector<64x1xf32>
    %slice3A = vector.extract_strided_slice %get3A_1 {offsets = [0, 0], sizes = [32, 1], strides = [1, 1]} : vector<64x1xf32> to vector<32x1xf32>
    %get3A_2 = arith.constant 0 : index
    %get3A_3 = arith.constant 0 : index
    %get3A_4 = vector.load %arg1[%get3A_2, %get3A_3] : memref<32x32768xf32, #tpu.memory_space<vmem>>, vector<32x32768xf32>
    %dot_general3A = arith.constant dense<0.000000e+00> : vector<1x32768xf32>
    %dot_general3A_5 = tpu.matmul %slice3A, %get3A_4, %dot_general3A {dimension_numbers = #tpu.dot_dimension_numbers<[0], [0], [1], [1], [0, 1, 1, 1], [], []>, transpose_lhs_hint = false} : vector<32x1xf32>, vector<32x32768xf32>, vector<1x32768xf32> -> vector<1x32768xf32>
    %reshape3A = vector.shape_cast %dot_general3A_5 : vector<1x32768xf32> to vector<32768xf32>
    %swap3A = arith.constant 0 : index
    %swap3A_6 = vector.load %arg4[%swap3A] : memref<32768xf32, #tpu.memory_space<vmem>>, vector<32768xf32>
    tpu.vector_store %arg4[%swap3A], %reshape3A {strides = array<i32>} : memref<32768xf32, #tpu.memory_space<vmem>>, vector<32768xf32>,
    %slice3A_7 = vector.extract_strided_slice %get3A_1 {offsets = [32, 0], sizes = [32, 1], strides = [1, 1]} : vector<64x1xf32> to vector<32x1xf32>
    %get3A_8 = arith.constant 0 : index
    %get3A_9 = arith.constant 0 : index
    %get3A_10 = vector.load %arg2[%get3A_8, %get3A_9] : memref<32x32768xf32, #tpu.memory_space<vmem>>, vector<32x32768xf32>
    %dot_general3A_11 = arith.constant dense<0.000000e+00> : vector<1x32768xf32>
    %dot_general3A_12 = tpu.matmul %slice3A_7, %get3A_10, %dot_general3A_11 {dimension_numbers = #tpu.dot_dimension_numbers<[0], [0], [1], [1], [0, 1, 1, 1], [], []>, transpose_lhs_hint = false} : vector<32x1xf32>, vector<32x32768xf32>, vector<1x32768xf32> -> vector<1x32768xf32>
    %reshape3A_13 = vector.shape_cast %dot_general3A_12 : vector<1x32768xf32> to vector<32768xf32>
    %swap3A_14 = arith.constant 0 : index
    %swap3A_15 = vector.load %arg5[%swap3A_14] : memref<32768xf32, #tpu.memory_space<vmem>>, vector<32768xf32>
    tpu.vector_store %arg5[%swap3A_14], %reshape3A_13 {strides = array<i32>} : memref<32768xf32, #tpu.memory_space<vmem>>, vector<32768xf32>,
    return
  }
  func.func @transform_0(%arg0: i32) -> (i32, i32) {
    %c0_i32 = arith.constant 0 : i32
    %c0_i32_0 = arith.constant 0 : i32
    return %c0_i32, %arg0 : i32, i32
  }
  func.func @transform_1(%arg0: i32) -> (i32, i32) {
    %c0_i32 = arith.constant 0 : i32
    %c0_i32_0 = arith.constant 0 : i32
    return %c0_i32, %arg0 : i32, i32
  }
  func.func @transform_2(%arg0: i32) -> (i32, i32) {
    %c0_i32 = arith.constant 0 : i32
    %c0_i32_0 = arith.constant 0 : i32
    %c0_i32_1 = arith.constant 0 : i32
    return %c0_i32, %c0_i32_0 : i32, i32
  }
  func.func @transform_3(%arg0: i32) -> i32 {
    %c0_i32 = arith.constant 0 : i32
    return %arg0 : i32
  }
  func.func @transform_4(%arg0: i32) -> i32 {
    %c0_i32 = arith.constant 0 : i32
    return %arg0 : i32
  }
}

</mosaic_0001>

<sc_bundles>
// kernel: kernel.4.cloned.1.call-start
scs
__scs_entry_jumppad:
0x0: {  	(pc) =	sbr.rel $0x88, $3  }
0x1: {  	(tag) =	ssettag $0x0;
	lr =	simm.s32 $0x1  }
0x2: {  	[smem:$0x3F9B] =	sst lr;
	_ =	strace $0xD0000000  }
0x3: {  	_ = 	snop  }
0x4: {  	_ = 	snop  }
0x5: {  	_ = 	snop  }
0x6: {  	_ = 	snop  }
0x7: {  	_ = 	snop  }
__scs_overlays_trampoline_lowered:
0x8: {  	[smem:$0x3FAA] =	sst s0  }
0x9: {  	[smem:$0x3FAB] =	sst s1  }
0xa: {  	[smem:$0x3FAC] =	sst s2  }
0xb: {  	[smem:$0x3FAD] =	sst s3  }
0xc: {  	[smem:$0x3FAE] =	sst s4  }
0xd: {  	[smem:$0x3FAF] =	sst s5  }
0xe: {  	[smem:$0x3FB0] =	sst s6  }
0xf: {  	[smem:$0x3FB1] =	sst s7  }
0x10: {  	[smem:$0x3FB2] =	sst s8  }
0x11: {  	[smem:$0x3FB3] =	sst s9;
	s0 =	simm.s32 @!p0 $0x0  }
0x12: {  	s1 =	sld [smem:$0x3F99];
	s0 =	simm.s32 @p0 $0x1  }
0x13: {  	[smem:$0x3FB4] =	sst s0;
	s0 =	simm.s32 @!p1 $0x0  }
0x14: {  	s2 =	sld [smem:$0x3F98];
	s0 =	simm.s32 @p1 $0x1  }
0x15: {  	[smem:$0x3FB5] =	sst s0;
	s0 =	simm.s32 @!p2 $0x0  }
0x16: {  	s3 =	sld [smem:$0x3FDB];
	s0 =	simm.s32 @p2 $0x1  }
0x17: {  	s4 =	simm.s32 $0x1BF5;
	[smem:$0x3FB7] =	sst s0  }
0x18: {  	s0 =	sld [smem:$0x3F9A];
	_ =	swait.ge [sflag:s4], $0x0  }
0x19: {  	s7 =	sld [smem:$0x3F9B]  }
0x1a: {  	s8 =	sadd.s32 $0xFFFFE003, lr  }
0x1b: {  	s9 =	sadd.s32 $0xFFFFFEF7, lr;
	s5 =	simm.s32 $0xFFFFFFFF;
	p2 =	slt.u32 s8, $0xFFFFF086  }
0x1c: {  	p1 =	slt.u32 s9, $0xF7A;
	s5 =	simm.s32 @!p2 $0x0  }
0x1d: {  	s5 =	simm.s32 @p1 $0x1;
	p0 =	seq.s32 s7, s2  }
0x1e: {  	s7 =	smul.u32 @!p0 $0xF7A, s2;
	p2 =	seq.s32 @!p0 s5, $0x0  }
0x1f: {  	s9 =	smul.u32 $0xF7A, s1;
	s8 =	simm.s32 @!p0 $0x1BF5;
	p2 =	por !p2, p0  }
0x20: {  	[sflag:s8] =	ssyncset.s32 @!p0 $0xFFFFF086;
	s6 =	sadd.s32 @!p0 s3, s7;
	s7 =	simm.s32 @!p0 $0x108  }
0x21: {  	s3 =	sadd.s32 s3, s9;
	s6 =	sadd.s32 @!p0 $0x88, s6;
	s7 =	simm.s32 @p2 $0x1082  }
0x22: {  	[simem:s7], [sflag:s8] =	dma.local @!p0 [hbm:s6], $0xF7A  }
0x23: {  	s9 =	sor.u32 $0xD0000000, s2;
	s6 =	simm.s32 $0x108;
	_ =	swait.ge @!p0 [sflag:s8], $0x0  }
0x24: {  	s3 =	sadd.s32 $0x88, s3;
	s6 =	simm.s32 @!p1 $0x1082;
	[sflag:s4] =	ssyncset.s32 $0xFFFFF086  }
0x25: {  	[simem:s6], [sflag:s4] =	dma.local [hbm:s3], $0xF7A  }
0x26: {  	[smem:$0x3F9B] =	sst s1;
	(tag) =	ssettag s2;
	_ =	strace s9  }
0x27: {  	s1 =	sld [smem:$0x3FAB]  }
0x28: {  	s2 =	sld [smem:$0x3FAC]  }
0x29: {  	s4 =	sld [smem:$0x3FAE]  }
0x2a: {  	p0 =	seq.s32 s5, $0x0;
	s5 =	sld [smem:$0x3FAF]  }
0x2b: {  	s6 =	sld [smem:$0x3FB0]  }
0x2c: {  	s7 =	sld [smem:$0x3FB1]  }
0x2d: {  	s3 =	simm.s32 $0x108;
	s8 =	sld [smem:$0x3FB2]  }
0x2e: {  	s3 =	simm.s32 @!p0 $0x1082;
	s9 =	sld [smem:$0x3FB3]  }
0x2f: {  	lr =	sadd.s32 s0, s3;
	s0 =	sld [smem:$0x3FAA]  }
0x30: {  	s3 =	sld [smem:$0x3FAD]  }
0x31: {  	[smem:$0x3FB6] =	sst s10  }
0x32: {  	s10 =	sld [smem:$0x3FB4];
	_ =	sdelay $0x3  }
0x33: {  	p0 =	seq.s32 s10, $0x1;
	s10 =	sld [smem:$0x3FB6];
	_ =	sdelay $0x3  }
0x34: {  	[smem:$0x3FB6] =	sst s10  }
0x35: {  	s10 =	sld [smem:$0x3FB5];
	_ =	sdelay $0x3  }
0x36: {  	p1 =	seq.s32 s10, $0x1;
	s10 =	sld [smem:$0x3FB6];
	_ =	sdelay $0x3  }
0x37: {  	[smem:$0x3FB6] =	sst s10  }
0x38: {  	s10 =	sld [smem:$0x3FB7]  }
0x39: {  	_ = 	snop;
	(pc) =	sbr.ind lr, $3  }
0x3a: {  	_ = 	snop  }
0x3b: {  	_ = 	snop  }
0x3c: {  	p2 =	seq.s32 s10, $0x1;
	s10 =	sld [smem:$0x3FB6]  }
0x3d: {  	_ =	shalt  }
0x3e: {  	_ =	shalt  }
0x3f: {  	_ =	shalt  }
0x40: {  	_ =	shalt  }
0x41: {  	_ =	shalt  }
0x42: {  	_ =	shalt  }
0x43: {  	_ =	shalt  }
0x44: {  	_ =	shalt  }
0x45: {  	_ =	shalt  }
0x46: {  	_ =	shalt  }
0x47: {  	_ =	shalt  }
0x48: {  	_ =	shalt  }
0x49: {  	_ =	shalt  }
0x4a: {  	_ =	shalt  }
0x4b: {  	_ =	shalt  }
0x4c: {  	_ =	shalt  }
0x4d: {  	_ =	shalt  }
0x4e: {  	_ =	shalt  }
0x4f: {  	_ =	shalt  }
0x50: {  	_ =	shalt  }
0x51: {  	_ =	shalt  }
0x52: {  	_ =	shalt  }
0x53: {  	_ =	shalt  }
0x54: {  	_ =	shalt  }
0x55: {  	_ =	shalt  }
0x56: {  	_ =	shalt  }
0x57: {  	_ =	shalt  }
0x58: {  	_ =	shalt  }
0x59: {  	_ =	shalt  }
0x5a: {  	_ =	shalt  }
0x5b: {  	_ =	shalt  }
0x5c: {  	_ =	shalt  }
0x5d: {  	_ =	shalt  }
0x5e: {  	_ =	shalt  }
0x5f: {  	_ =	shalt  }
0x60: {  	_ =	shalt  }
0x61: {  	_ =	shalt  }
0x62: {  	_ =	shalt  }
0x63: {  	_ =	shalt  }
0x64: {  	_ =	shalt  }
0x65: {  	_ =	shalt  }
0x66: {  	_ =	shalt  }
0x67: {  	_ =	shalt  }
0x68: {  	_ =	shalt  }
0x69: {  	_ =	shalt  }
0x6a: {  	_ =	shalt  }
0x6b: {  	_ =	shalt  }
0x6c: {  	_ =	shalt  }
0x6d: {  	_ =	shalt  }
0x6e: {  	_ =	shalt  }
0x6f: {  	_ =	shalt  }
0x70: {  	_ =	shalt  }
0x71: {  	_ =	shalt  }
0x72: {  	_ =	shalt  }
0x73: {  	_ =	shalt  }
0x74: {  	_ =	shalt  }
0x75: {  	_ =	shalt  }
0x76: {  	_ =	shalt  }
0x77: {  	_ =	shalt  }
0x78: {  	_ =	shalt  }
0x79: {  	_ =	shalt  }
0x7a: {  	_ =	shalt  }
0x7b: {  	_ =	shalt  }
0x7c: {  	_ =	shalt  }
0x7d: {  	_ =	shalt  }
0x7e: {  	_ =	shalt  }
0x7f: {  	_ =	shalt  }
0x80: {  	_ =	shalt  }
0x81: {  	_ =	shalt  }
0x82: {  	_ =	shalt  }
0x83: {  	_ =	shalt  }
0x84: {  	_ =	shalt  }
0x85: {  	_ =	shalt  }
0x86: {  	_ =	shalt  }
0x87: {  	_ =	shalt  }
.Lfunc_end0:
.L_simem_size_0:
called_computation_lowered:
.L_overlay_start_0:
0x88: {  	s2 =	sld [smem:$0x3FD9]  }
0x89: {  	s3 =	sld [smem:$0x3FFE];
	_ =	sdelay $0x1  }
0x8a: {  	s1 =	srdreg.scid  }
0x8b: {  	s0 =	sand.u32 $0x1, s1  }
0x8c: {  	s17 =	sshll.u32 s0, $0xA;
	s2 =	sadd.s32 s3, s2  }
0x8d: {  	s2 =	sadd.s32 s2, s17  }
0x8e: {  	[smem:$0x3FC2] =	sst s2  }
0x8f: {  	_ = 	snop  }
0x90: {  	s2 =	sld [smem:$0x3FC9]  }
0x91: {  	s18 =	sld [smem:$0x3FC8]  }
0x92: {  	s4 =	sld [smem:$0x3FD0];
	(tm) =	ssettm $0x1  }
0x93: {  	s5 =	sld [smem:$0x3FFB];
	_ =	sdelay $0x3  }
0x94: {  	_ =	strace s5  }
0x95: {  	s5 =	sld [smem:$0x3FFC];
	_ =	sdelay $0x3  }
0x96: {  	_ =	strace s5  }
0x97: {  	s5 =	sld [smem:$0x3FFD];
	_ =	sdelay $0x3  }
0x98: {  	_ =	strace s5  }
0x99: {  	_ =	strace $0x8FFFFFFF  }
0x9a: {  	s19 =	sld [smem:$0x3FDB];
	_ =	sdelay $0x1  }
0x9b: {  	s6 =	simm.s32 $_scs_section_size  }
0x9c: {  	s7 =	simm.s32 $_size__tile_overlayer_lowered;
	s8 =	simm.s32 $_tile_overlayer_lowered  }
0x9d: {  	s22 =	simm.s32 $0x1BFF;
	s21 =	sshll.u32 s8, $0x1;
	s5 =	sadd.s32 s6, s19  }
0x9e: {  	s9 =	simm.s32 $0x0;
	s20 =	sshll.u32 s7, $0x1;
	s7 =	sadd.s32 s21, s5  }
0x9f: {  	[timem:s9], [sflag:s22] =	dma.local [hbm:s7], s20  }
0xa0: {  	_ =	swait.ge [sflag:s22], s20  }
0xa1: {  	s6 =	ssub.s32 $0x0, s20;
	[sflag:s22] =	ssyncset.done $0x0  }
0xa2: {  	[sflag:s22] =	ssyncadd.s32 s6;
	_ =	sdelay $0x1  }
0xa3: {  	s23 =	simm.s32 $0x1B8B  }
0xa4: {  	_ =	swait.ge [sflag:s23], $0x1  }
0xa5: {  	[sflag:s23] =	ssyncset.done $0x0  }
0xa6: {  	s25 =	simm.s32 $0x1B8E;
	s24 =	sld [smem:$0x3FFE];
	[sflag:s23] =	ssyncadd.s32 $0xFFFFFFFF  }
0xa7: {  	s26 =	simm.s32 $execute0_lowered;
	[smem:$0x3FD2] =	sst s25  }
0xa8: {  	s7 =	sshll.u32 s26, $0x1;
	_ =	strace $0x80000046;
	[dreg:$0x1] =	wrdreg $0xFFFFFFFF  }
0xa9: {  	s28 =	simm.s32 $_size_execute0_lowered;
	s5 =	sadd.s32 s5, s7;
	[dreg:$0x0] =	wrdreg $0x0  }
0xaa: {  	s7 =	sshll.u32 s28, $0x1;
	[dreg:$0x2] =	wrdreg s5  }
0xab: {  	[dreg:$0x3] =	wrdreg s7  }
0xac: {  	[dreg:$0x4] =	wrdreg $0xC0  }
0xad: {  	_ =	task [dreg:s9], $0x5FFFF  }
0xae: {  	[dreg:$0x1] =	wrdreg $0xFFFFFFFF  }
0xaf: {  	[dreg:$0x0] =	wrdreg $0x60  }
0xb0: {  	[dreg:$0x2] =	wrdreg s2  }
0xb1: {  	[dreg:$0x3] =	wrdreg s18  }
0xb2: {  	[dreg:$0x4] =	wrdreg s24  }
0xb3: {  	[dreg:$0x5] =	wrdreg s4  }
0xb4: {  	[dreg:$0x6] =	wrdreg $0x9  }
0xb5: {  	_ =	task.clear_ibuf [dreg:s9], $0x7FFFF;
	_ =	strace $0x90000046  }
0xb6: {  	s29 =	simm.s32 $0x9;
	_ =	strace $0x80000048  }
0xb7: {  	_ =	swait.ge [sflag:s29], $0x1  }
0xb8: {  	[sflag:s29] =	ssyncadd.s32 $0xFFFFFFFF  }
0xb9: {  	_ =	strace $0x90000048  }
0xba: {  	_ =	sfence  }
0xbb: {  	s30 =	sld [smem:$0x0];
	_ =	sdelay $0x2  }
0xbc: {  	s31 =	sshll.u32 s1, $0xD;
	s1 =	sshrl.u32 s1, $0x2  }
0xbd: {  	s3 =	sand.u32 $0x4000, s31;
	s1 =	sadd.s32 s1, s30  }
0xbe: {  	s0 =	sor.u32 s3, s0;
	s1 =	sshll.u32 s1, $0x11  }
0xbf: {  	s0 =	sor.u32 s1, s0  }
0xc0: {  	s0 =	sadd.s32 $0x8F2B, s0  }
0xc1: {  	[sflag:s0] =	ssyncadd.remote.s32 $0x1  }
0xc2: {  	_ =	sfence.sel $0xFFFF  }
0xc3: {  	[dreg:$0x0] =	wrdreg $0xFFFFFFFF;
	(pc) =	sbr.abs _section_cstart, $3  }
0xc4: {  	[dreg:$0x1] =	wrdreg $0xFFFFFFFF  }
0xc5: {  	_ =	task.clear_ibuf [dreg:s9], $0x2FFFF;
	_ =	strace $0x9FFFFFFF  }
0xc6: {  	(tm) =	ssettm $0x7FFFFFFF  }
0xc7: {  	_ =	shalt  }
tec
execute0_lowered:
.L_overlay_start_1:
0x0: {  	(tag) =	ssettag $0x1  }
0x1: {  	s0 =	rddreg [dreg:$0x0]  }
0x2: {  	s2 =	rddreg [dreg:$0x1]  }
0x3: {  	s5 =	rddreg [dreg:$0x2]  }
0x4: {  	s8 =	rddreg [dreg:$0x3];
	s1 =	simm.s32 $0x0  }
0x5: {  	s4 =	srdreg.scid;
	s7 =	stileid.u32;
	s11 =	simm.s32 $0x200  }
0x6: {  	s13 =	simm.s32 $0x80;
	s19 =	simm.s32 $0x100;
	s20 =	simm.s32 $0x500  }
0x7: {  	s21 =	simm.s32 $0x300;
	s22 =	simm.s32 $0x700;
	s23 =	simm.s32 $0x180  }
0x8: {  	s24 =	simm.s32 $0x580;
	s25 =	simm.s32 $0x380;
	s26 =	simm.s32 $0x780  }
0x9: {  	s28 =	simm.s32 $0x1;
	s29 =	simm.s32 $0x2;
	s30 =	simm.s32 $0x810  }
0xa: {  	s31 =	simm.s32 $0x0;
	[smem:$0x7FF] =	sst s1;
	s3 =	sadd.s32 $0xA00, s5  }
0xb: {  	s4 =	sand.u32 $0x1, s4;
	s7 =	sshll.u32 s7, $0x7;
	_ =	strace $0x80000047  }
0xc: {  	s6 =	ssub.s32 $0x2, s4;
	s9 =	sshll.u32 s4, $0x6;
	s4 =	sadd.s32 $0x1F400, s5  }
0xd: {  	s5 =	sadd.s32 $0x3DE00, s5;
	s10 =	sshrl.u32 s6, $0x1;
	s9 =	sor.u32 s9, s7  }
0xe: {  	s10 =	ssub.s32 s6, s10;
	s6 =	sadd.s32 s0, s9;
	s7 =	sadd.s32 s2, s9  }
0xf: {  	s8 =	sadd.s32 s8, s9;
	s9 =	smax.u32 s10, $0x1;
	s10 =	simm.s32 $0x3  }
.LBB2_1:
0x10: {  	[tilespmem:s1], [sflag:$0x3] =	stream.linear.gather [hbm4b:s6+s1], $0x200, $0x38;
	[tilespmem:$0xA10] =	vst v63  }
0x11: {  	_ =	swait.ge [sflag:s10], $0x200  }
0x12: {  	[sflag:s10] =	ssyncset.done $0x0  }
0x13: {  	[sflag:s10] =	ssyncadd.s32 $0xFFFFFE00  }
0x14: {  	[tilespmem:s11], [sflag:$0x3] =	stream.linear.gather [hbm4b:s7+s1], $0x200, $0x38;
	[tilespmem:$0xA10] =	vst v63  }
0x15: {  	_ =	swait.ge [sflag:s10], $0x200  }
0x16: {  	[sflag:s10] =	ssyncset.done $0x0  }
0x17: {  	s0 =	simm.s32 $0x800;
	[sflag:s10] =	ssyncadd.s32 $0xFFFFFE00  }
0x18: {  	[tilespmem:s0], [sflag:$0x3] =	stream.linear.gather [hbm4b:s5+s1], $0x10, $0x38;
	[tilespmem:$0xA10] =	vst v63  }
0x19: {  	_ =	swait.ge [sflag:s10], $0x10  }
0x1a: {  	[sflag:s10] =	ssyncset.done $0x0  }
0x1b: {  	s15 =	simm.s32 $0x400;
	[sflag:s10] =	ssyncadd.s32 $0xFFFFFFF0  }
0x1c: {  	[tilespmem:s15], [sflag:$0x1] =	stream.indirect.gather [hbm4b:s3+s13], $0x1, s1, s13, $0xb8;
	[tilespmem:$0xA10] =	vst v63  }
0x1d: {  	s16 =	simm.s32 $0x600  }
0x1e: {  	[tilespmem:s16], [sflag:$0x2] =	stream.indirect.gather [hbm4b:s4+s13], $0x1, s11, s13, $0xb8;
	[tilespmem:$0xA10] =	vst v63  }
0x1f: {  	s17 =	simm.s32 $0x480  }
0x20: {  	[tilespmem:s17], [sflag:$0x1] =	stream.indirect.gather [hbm4b:s3+s13], $0x1, s13, s13, $0xb8;
	[tilespmem:$0xA10] =	vst v63  }
0x21: {  	s18 =	simm.s32 $0x280;
	s2 =	simm.s32 $0x680  }
0x22: {  	[tilespmem:s2], [sflag:$0x2] =	stream.indirect.gather [hbm4b:s4+s13], $0x1, s18, s13, $0xb8;
	[tilespmem:$0xA10] =	vst v63  }
0x23: {  	_ = 	snop  }
0x24: {  	[tilespmem:s20], [sflag:$0x1] =	stream.indirect.gather [hbm4b:s3+s13], $0x1, s19, s13, $0xb8;
	[tilespmem:$0xA10] =	vst v63  }
0x25: {  	_ = 	snop  }
0x26: {  	[tilespmem:s22], [sflag:$0x2] =	stream.indirect.gather [hbm4b:s4+s13], $0x1, s21, s13, $0xb8;
	[tilespmem:$0xA10] =	vst v63  }
0x27: {  	_ = 	snop  }
0x28: {  	[tilespmem:s24], [sflag:$0x1] =	stream.indirect.gather [hbm4b:s3+s13], $0x1, s23, s13, $0xb8;
	[tilespmem:$0xA10] =	vst v63  }
0x29: {  	_ = 	snop  }
0x2a: {  	[tilespmem:s26], [sflag:$0x2] =	stream.indirect.gather [hbm4b:s4+s13], $0x1, s25, s13, $0xb8;
	[tilespmem:$0xA10] =	vst v63  }
0x2b: {  	_ =	swait.ge [sflag:s28], $0x80  }
0x2c: {  	[sflag:s28] =	ssyncset.done $0x0  }
0x2d: {  	[sflag:s28] =	ssyncadd.s32 $0xFFFFFF80  }
0x2e: {  	_ =	swait.ge [sflag:s29], $0x80  }
0x2f: {  	[sflag:s29] =	ssyncset.done $0x0  }
0x30: {  	[sflag:s29] =	ssyncadd.s32 $0xFFFFFF80  }
0x31: {  	_ =	swait.ge [sflag:s28], $0x80  }
0x32: {  	[sflag:s28] =	ssyncset.done $0x0  }
0x33: {  	[sflag:s28] =	ssyncadd.s32 $0xFFFFFF80  }
0x34: {  	_ =	swait.ge [sflag:s29], $0x80  }
0x35: {  	[sflag:s29] =	ssyncset.done $0x0  }
0x36: {  	[sflag:s29] =	ssyncadd.s32 $0xFFFFFF80  }
0x37: {  	_ =	swait.ge [sflag:s28], $0x80  }
0x38: {  	[sflag:s28] =	ssyncset.done $0x0  }
0x39: {  	[sflag:s28] =	ssyncadd.s32 $0xFFFFFF80  }
0x3a: {  	_ =	swait.ge [sflag:s29], $0x80  }
0x3b: {  	[sflag:s29] =	ssyncset.done $0x0  }
0x3c: {  	[sflag:s29] =	ssyncadd.s32 $0xFFFFFF80  }
0x3d: {  	_ =	swait.ge [sflag:s28], $0x80  }
0x3e: {  	[sflag:s28] =	ssyncset.done $0x0  }
0x3f: {  	[sflag:s28] =	ssyncadd.s32 $0xFFFFFF80  }
0x40: {  	_ =	swait.ge [sflag:s29], $0x80  }
0x41: {  	[sflag:s29] =	ssyncset.done $0x0  }
0x42: {  	s0 =	simm.s32 $0x0;
	[sflag:s29] =	ssyncadd.s32 $0xFFFFFF80  }
0x43: {  	v1 =	vld [tilespmem:s0+$0x400]  }
0x44: {  	v2 =	vld [tilespmem:s0+$0x600]  }
0x45: {  	s2 =	simm.s32 $0x10;
	v0 =	vld [tilespmem:$0x800]  }
0x46: {  	v3 =	vld [tilespmem:s2+$0x400]  }
0x47: {  	v4 =	vld [tilespmem:s2+$0x600];
	_ =	sdelay $0x1  }
0x48: {  	v1 =	vadd.f32 v2, v1;
	_ =	sdelay $0x1  }
0x49: {  	v1 =	vadd.f32 v1, v0  }
0x4a: {  	v2 =	vadd.f32 v4, v3  }
0x4b: {  	s12 =	simm.s32 $0x20;
	v1 =	vsub.f32 $0.0e+00, v1  }
0x4c: {  	v3 =	vld [tilespmem:s12+$0x400];
	v2 =	vadd.f32 v2, v0  }
0x4d: {  	v4 =	vld [tilespmem:s12+$0x600];
	v1 =	vmul.f32 $1.442695020e+00, v1  }
0x4e: {  	v2 =	vsub.f32 $0.0e+00, v2  }
0x4f: {  	s14 =	simm.s32 $0x30;
	(erf) = vpow2.f32 v1  }
0x50: {  	v5 =	vld [tilespmem:s14+$0x400];
	v1 =	vmul.f32 $1.442695020e+00, v2  }
0x51: {  	v2 =	vld [tilespmem:s14+$0x600]  }
0x52: {  	(erf) = vpow2.f32 v1;
	v1 =	vadd.f32 v4, v3;
	_ =	sdelay $0x1  }
0x53: {  	v1 =	vadd.f32 v1, v0;
	_ =	sdelay $0x1  }
0x54: {  	s15 =	simm.s32 $0x40;
	v2 =	vadd.f32 v2, v5;
	v1 =	vsub.f32 $0.0e+00, v1  }
0x55: {  	v3 =	vld [tilespmem:s15+$0x400]  }
0x56: {  	v4 =	vld [tilespmem:s15+$0x600];
	v2 =	vadd.f32 v2, v0;
	v1 =	vmul.f32 $1.442695020e+00, v1;
	v5 =	vpop (erf)  }
0x57: {  	v5 =	vadd.f32 $1.000000000e+00, v5  }
0x58: {  	v2 =	vsub.f32 $0.0e+00, v2;
	(erf) = vpow2.f32 v1  }
0x59: {  	(erf) = vrcp.f32 v5  }
0x5a: {  	v2 =	vmul.f32 $1.442695020e+00, v2;
	v1 =	vpop (erf)  }
0x5b: {  	s16 =	simm.s32 $0x50;
	v3 =	vadd.f32 v4, v3;
	v4 =	vadd.f32 $1.000000000e+00, v1  }
0x5c: {  	v1 =	vld [tilespmem:s16+$0x400];
	(erf) = vpow2.f32 v2  }
0x5d: {  	v2 =	vld [tilespmem:s16+$0x600];
	(erf) = vrcp.f32 v4  }
0x5e: {  	v3 =	vadd.f32 v3, v0;
	_ =	sdelay $0x1  }
0x5f: {  	s17 =	simm.s32 $0x180;
	v3 =	vsub.f32 $0.0e+00, v3  }
.LBB2_2:
0x60: {  	s18 =	sshra.s32 s17, $0x2;
	v4 =	vpop (erf);
	p0 =	sne.s32 s17, $0x7C0  }
.Ltmp0:
0x61: {  	v5 =	vadd.f32 v2, v1;
	v1 =	vld [tilespmem:s18+$0x400];
	v3 =	vmul.f32 $1.442695020e+00, v3;
	v6 =	vpop (erf);
	(pc) =	sbr.rel @p0 .LBB2_2-.Ltmp0, $4  }
0x62: {  	s17 =	sadd.s32 $0x40, s17;
	v4 =	vadd.f32 $1.000000000e+00, v4;
	v2 =	vld [tilespmem:s18+$0x600];
	[tilespmem:s0+$0x810] =	vst v6;
	s0 =	smov.u32 s2  }
0x63: {  	s2 =	smov.u32 s12;
	s12 =	smov.u32 s14;
	s14 =	smov.u32 s15;
	v5 =	vadd.f32 v5, v0;
	(erf) = vpow2.f32 v3  }
0x64: {  	s15 =	smov.u32 s16;
	s16 =	smov.u32 s18;
	(erf) = vrcp.f32 v4  }
0x65: {  	v3 =	vsub.f32 $0.0e+00, v5  }
0x66: {  	_ = 	snop  }
0x67: {  	v1 =	vadd.f32 v2, v1;
	_ =	sdelay $0x1  }
0x68: {  	v0 =	vadd.f32 v1, v0;
	_ =	sdelay $0x1  }
0x69: {  	v54 =	vpop (erf);
	v55 =	vmul.f32 $1.442695020e+00, v3;
	v0 =	vsub.f32 $0.0e+00, v0  }
0x6a: {  	v1 =	vadd.f32 $1.000000000e+00, v54  }
0x6b: {  	(erf) = vpow2.f32 v55;
	v0 =	vmul.f32 $1.442695020e+00, v0  }
0x6c: {  	(erf) = vrcp.f32 v1  }
0x6d: {  	(erf) = vpow2.f32 v0;
	_ =	sdelay $0x3  }
0x6e: {  	v56 =	vpop (erf)  }
0x6f: {  	v57 =	vpop (erf)  }
0x70: {  	v58 =	vpop (erf)  }
0x71: {  	v59 =	vpop (erf)  }
0x72: {  	v1 =	vadd.f32 $1.000000000e+00, v57;
	v4 =	vpop (erf)  }
0x73: {  	v3 =	vadd.f32 $1.000000000e+00, v59;
	v5 =	vpop (erf)  }
0x74: {  	(erf) = vrcp.f32 v1;
	v60 =	vadd.f32 $1.000000000e+00, v5  }
0x75: {  	(erf) = vrcp.f32 v3  }
0x76: {  	(erf) = vrcp.f32 v60;
	_ =	sdelay $0x4  }
0x77: {  	[tilespmem:s0+$0x810] =	vst v56  }
0x78: {  	[tilespmem:s2+$0x810] =	vst v58  }
0x79: {  	[tilespmem:s12+$0x810] =	vst v4;
	v61 =	vpop (erf)  }
0x7a: {  	s31 =	sadd.s32 $0x1, s31;
	[tilespmem:s14+$0x810] =	vst v61;
	v62 =	vpop (erf)  }
0x7b: {  	p0 =	sne.s32 s31, s9;
	[tilespmem:s15+$0x810] =	vst v62;
	v63 =	vpop (erf)  }
.Ltmp1:
0x7c: {  	[tilespmem:s16+$0x810] =	vst v63;
	(pc) =	sbr.rel @p0 .LBB2_1-.Ltmp1, $4  }
0x7d: {  	[hbm4b:s8+s1] =	stream.linear.scatter [tilespmem:s30], [sflag:$0x3], $0x200, $0x38;
	[tilespmem:$0xA10] =	vst v63  }
0x7e: {  	_ =	swait.ge [sflag:s10], $0x200  }
0x7f: {  	[sflag:s10] =	ssyncset.done $0x0  }
0x80: {  	[sflag:s10] =	ssyncadd.s32 $0xFFFFFE00  }
0x81: {  	_ =	sfence.sel $0x180000  }
0x82: {  	[bflag:$0x0] =	sbarrier.arrive $0xFFFF  }
0x83: {  	_ =	strace $0x90000047  }
0x84: {  	s0 =	stileid.u32;
	[bflag:$0x2] =	sbarrier.arrive $0xFFFF  }
0x85: {  	p0 =	sne.s32 s0, $0x0;
	s0 =	rddreg [dreg:$0x4]  }
0x86: {  	s0 =	sadd.s32 @!p0 $0x100000, s0  }
0x87: {  	[sflag:s0] =	ssyncadd.tile.s32 @!p0 $0x1;
	_ =	shalt  }
.Lfunc_end2:
_tile_overlayer_lowered:
.L_overlay_start_2:
0x88: {  	(tag) =	ssettag $0x2  }
0x89: {  	s0 =	rddreg [dreg:$0x0];
	s2 =	stileid.u32  }
0x8a: {  	s1 =	rddreg [dreg:$0x1];
	p0 =	sne.s32 s2, $0x0  }
0x8b: {  	s3 =	rddreg [dreg:$0x2];
	[bflag:$0x3] =	sbarrier.arrive $0xFFFF;
	s2 =	simm.s32 @!p0 $0x1C03  }
0x8c: {  	[timem:s3], [sflag:s2] =	dma.local @!p0 [hbm:s0], s1  }
0x8d: {  	s0 =	simm.s32 @!p0 $0x3  }
0x8e: {  	_ =	swait.ge @!p0 [sflag:s0], s1  }
0x8f: {  	s1 =	ssub.s32 @!p0 $0x0, s1;
	[sflag:s0] =	ssyncset.done @!p0 $0x0  }
0x90: {  	[sflag:s0] =	ssyncadd.s32 @!p0 s1  }
0x91: {  	[bflag:$0x3] =	sbarrier.arrive $0xFFFF  }
0x92: {  	_ =	shalt  }

</sc_bundles>
